<compile_context>
chip_gen: v7x
topology: tpu7x:2x2x1
jax: 0.10.2.dev20260603
libtpu: 0.0.44.dev20260713+nightly
codegen_flags: <defaults>
</compile_context>

<pallas_src>
import functools

import jax
import jax.numpy as jnp
from jax import lax
from jax.experimental import pallas as pl
from jax.experimental.pallas import tpu as pltpu
from jax.experimental.pallas import tpu_sc as plsc


_NC, _NS, _L = 2, 16, 16
_NW = _NC * _NS
_TC_R = 16


def _sc_gather_kernel(B, V, flat_hbm, actions_hbm, g_hbm,
                      abuf, idxbuf, gbuf, sem):
    RPW = B // _NW
    wid = lax.axis_index("s") * _NC + lax.axis_index("c")
    base = wid * RPW
    lane = lax.iota(jnp.int32, _L)

    pltpu.sync_copy(actions_hbm.at[pl.ds(base, RPW)], abuf)
    for g in range(RPW // _L):
        av = abuf[pl.ds(g * _L, _L)]
        rowid = base + g * _L + lane
        idxbuf[pl.ds(g * _L, _L)] = rowid * V + av
    pltpu.async_copy(flat_hbm.at[idxbuf], gbuf, sem).wait()
    pltpu.sync_copy(gbuf, g_hbm.at[pl.ds(base, RPW)])


def _tc_kernel(logits_ref, g_ref, lp_ref, mode_ref, probs_ref):
    x = logits_ref[...]
    m = jnp.max(x, axis=-1, keepdims=True)
    e = jnp.exp(x - m)
    s = jnp.sum(e, axis=-1, keepdims=True)
    probs_ref[...] = e * (100.0 / s)

    cols = jax.lax.broadcasted_iota(jnp.int32, x.shape, 1)
    big = jnp.int32(x.shape[-1])
    mode_ref[...] = jnp.min(jnp.where(x == m, cols, big), axis=-1,
                            keepdims=True)
    lp_ref[...] = g_ref[...] - m - jnp.log(s)


def kernel(logits, actions):
    B, V = logits.shape
    RPW = B // _NW

    mesh = plsc.VectorSubcoreMesh(core_axis_name="c", subcore_axis_name="s")
    sc = functools.partial(
        pl.kernel,
        out_type=jax.ShapeDtypeStruct((B,), jnp.float32),
        mesh=mesh,
        compiler_params=pltpu.CompilerParams(
            needs_layout_passes=False, use_tc_tiling_on_sc=False),
        scratch_types=[
            pltpu.VMEM((RPW,), jnp.int32),
            pltpu.VMEM((RPW,), jnp.int32),
            pltpu.VMEM((RPW,), jnp.float32),
            pltpu.SemaphoreType.DMA,
        ],
    )(functools.partial(_sc_gather_kernel, B, V))
    g = sc(logits.reshape(B * V), actions.reshape(B))

    grid = (B // _TC_R,)
    lp, mode_idx, new_probs = pl.pallas_call(
        _tc_kernel,
        grid=grid,
        in_specs=[
            pl.BlockSpec((_TC_R, V), lambda i: (i, 0)),
            pl.BlockSpec((_TC_R, 1), lambda i: (i, 0)),
        ],
        out_specs=[
            pl.BlockSpec((_TC_R, 1), lambda i: (i, 0)),
            pl.BlockSpec((_TC_R, 1), lambda i: (i, 0)),
            pl.BlockSpec((_TC_R, V), lambda i: (i, 0)),
        ],
        out_shape=[
            jax.ShapeDtypeStruct((B, 1), jnp.float32),
            jax.ShapeDtypeStruct((B, 1), jnp.int32),
            jax.ShapeDtypeStruct((B, V), jnp.float32),
        ],
    )(logits, g.reshape(B, 1))

    return (lp, mode_idx, new_probs)

# --- scband reference (transcript-rebuilt; emitter-appended) ---
"""Pipeline reference for scband-fixed-categorical-78554951844362 (READ-ONLY COPY).

The authoritative reference and input builder live on the scoring server;
editing this copy changes nothing except your own understanding.
"""

import jax, jax.numpy as jnp
import numpy as np


def setup_inputs(seed: int = 0) -> dict:
    key = jax.random.key(seed)
    k1, k2 = jax.random.split(key)
    B, V = 1024, 100000
    logits = jax.random.normal(k1, (B, V), dtype=jnp.float32)
    actions = jax.random.randint(k2, (B, 1), 0, V, dtype=jnp.int32)
    return {"logits": logits, "actions": actions}


def reference(logits, actions):
    # FixedCategorical built from logits (torch.distributions.Categorical semantics).
    # log_probs(actions): log_prob of the categorical at actions.squeeze(-1),
    # reshaped to (B, -1), summed over last dim, unsqueezed back to (B, 1).
    logp_all = jax.nn.log_softmax(logits, axis=-1)
    a = actions.squeeze(-1)
    lp = jnp.take_along_axis(logp_all, a[:, None], axis=-1).squeeze(-1)  # [B]
    lp = lp.reshape(actions.shape[0], -1).sum(axis=-1)[:, None]  # [B, 1]

    # mode(): argmax over probs (keepdim) plus probs scaled by 100
    probs = jax.nn.softmax(logits, axis=-1)
    mode_idx = jnp.argmax(probs, axis=-1, keepdims=True)  # [B, 1] int
    new_probs = probs * 100.0  # torch builds a python list of rows*100; equivalent tensor form

    return (lp, mode_idx, new_probs)

if __name__ == "__main__":
    import jax
    _d = setup_inputs()
    print(jax.jit(kernel)(*tuple(_d.values())))

</pallas_src>

<mosaic_0001>
#map = affine_map<(d0, d1) -> (0)>
module attributes {stable_mosaic.version = 14 : i64} {
  func.func @_sc_gather_kernel(%arg0: i32, %arg1: i32, %arg2: memref<102400000xf32, #tpu.memory_space<hbm>>, %arg3: memref<1024xi32, #tpu.memory_space<hbm>>, %arg4: memref<1024xf32, #tpu.memory_space<hbm>>, %arg5: memref<32xi32, #tpu.memory_space<vmem>>, %arg6: memref<32xi32, #tpu.memory_space<vmem>>, %arg7: memref<32xf32, #tpu.memory_space<vmem>>, %arg8: memref<!tpu.dma_semaphore, #tpu.memory_space<semaphore_mem>>) attributes {dimension_semantics = [#tpu.dimension_semantics<core_parallel>, #tpu.dimension_semantics<subcore_parallel>], iteration_bounds = array<i64: 2, 16>, scalar_prefetch = 0 : i64, scratch_operands = 4 : i64, tpu.core_type = #tpu.core_type<sc_vector_subcore>, window_params = [{transform_indices = #map}, {transform_indices = #map}, {transform_indices = #map}]} {
    %mul3A = arith.constant 2 : i32
    %mul3A_0 = arith.muli %arg1, %mul3A : i32
    %add3A = arith.addi %mul3A_0, %arg0 : i32
    %mul3A_1 = arith.constant 32 : i32
    %mul3A_2 = arith.muli %add3A, %mul3A_1 : i32
    %iota3A = tpu.iota {dimensions = array<i32: 0>} : vector<16xi32>
    "tpu.region"() ({
      %run_scoped3A = tpu.sem_alloc : memref<!tpu.dma_semaphore, #tpu.memory_space<semaphore_mem>>
      %dma_start3A_27 = tpu.memref_slice %arg3[%mul3A_2] : memref<1024xi32, #tpu.memory_space<hbm>> -> memref<32xi32, #tpu.memory_space<hbm>>
      %dma_start3A_28 = tpu.memref_slice %arg3[%mul3A_2] : memref<1024xi32, #tpu.memory_space<hbm>> -> memref<32xi32, #tpu.memory_space<hbm>>
      tpu.enqueue_dma source(%dma_start3A_28 : memref<32xi32, #tpu.memory_space<hbm>>) target(%arg5 : memref<32xi32, #tpu.memory_space<vmem>>) target_semaphore(%run_scoped3A : memref<!tpu.dma_semaphore, #tpu.memory_space<semaphore_mem>>)
      %dma_wait3A_29 = tpu.memref_slice %arg3[%mul3A_2] : memref<1024xi32, #tpu.memory_space<hbm>> -> memref<32xi32, #tpu.memory_space<hbm>>
      %dma_wait3A_30 = tpu.memref_slice %arg3[%mul3A_2] : memref<1024xi32, #tpu.memory_space<hbm>> -> memref<32xi32, #tpu.memory_space<hbm>>
      tpu.wait_dma2 semaphore(%run_scoped3A : memref<!tpu.dma_semaphore, #tpu.memory_space<semaphore_mem>>) src(%dma_wait3A_30 : memref<32xi32, #tpu.memory_space<hbm>>) dst(%arg5 : memref<32xi32, #tpu.memory_space<vmem>>)
      tpu.yield
    }) : () -> ()
    %get3A = arith.constant 0 : index
    %get3A_3 = tpu.vector_load %arg5[%get3A] {strides = array<i32>} : memref<32xi32, #tpu.memory_space<vmem>>, vector<16xi32>,
    %add3A_4 = arith.constant 0 : i32
    %add3A_5 = arith.addi %mul3A_2, %add3A_4 : i32
    %add3A_6 = vector.broadcast %add3A_5 : i32 to vector<16xi32>
    %add3A_7 = arith.addi %add3A_6, %iota3A : vector<16xi32>
    %mul3A_8 = arith.constant 100000 : i32
    %mul3A_9 = vector.broadcast %mul3A_8 : i32 to vector<16xi32>
    %mul3A_10 = arith.muli %add3A_7, %mul3A_9 : vector<16xi32>
    %add3A_11 = arith.addi %mul3A_10, %get3A_3 : vector<16xi32>
    %swap3A = arith.constant 0 : index
    %swap3A_12 = tpu.vector_load %arg6[%swap3A] {strides = array<i32>} : memref<32xi32, #tpu.memory_space<vmem>>, vector<16xi32>,
    tpu.vector_store %arg6[%swap3A], %add3A_11 {strides = array<i32>} : memref<32xi32, #tpu.memory_space<vmem>>, vector<16xi32>,
    %get3A_13 = arith.constant 16 : index
    %get3A_14 = tpu.vector_load %arg5[%get3A_13] {strides = array<i32>} : memref<32xi32, #tpu.memory_space<vmem>>, vector<16xi32>,
    %add3A_15 = arith.constant 16 : i32
    %add3A_16 = arith.addi %mul3A_2, %add3A_15 : i32
    %add3A_17 = vector.broadcast %add3A_16 : i32 to vector<16xi32>
    %add3A_18 = arith.addi %add3A_17, %iota3A : vector<16xi32>
    %mul3A_19 = arith.constant 100000 : i32
    %mul3A_20 = vector.broadcast %mul3A_19 : i32 to vector<16xi32>
    %mul3A_21 = arith.muli %add3A_18, %mul3A_20 : vector<16xi32>
    %add3A_22 = arith.addi %mul3A_21, %get3A_14 : vector<16xi32>
    %swap3A_23 = arith.constant 16 : index
    %swap3A_24 = tpu.vector_load %arg6[%swap3A_23] {strides = array<i32>} : memref<32xi32, #tpu.memory_space<vmem>>, vector<16xi32>,
    tpu.vector_store %arg6[%swap3A_23], %add3A_22 {strides = array<i32>} : memref<32xi32, #tpu.memory_space<vmem>>, vector<16xi32>,
    %dma_start3A = arith.constant 0 : i32
    %dma_start3A_25 = tpu.memref_slice %arg2[%dma_start3A] : memref<102400000xf32, #tpu.memory_space<hbm>> -> memref<102400000xf32, #tpu.memory_space<hbm>>
    tpu.enqueue_indirect_dma source(%dma_start3A_25 : memref<102400000xf32, #tpu.memory_space<hbm>>) target(%arg7 : memref<32xf32, #tpu.memory_space<vmem>>) offsets(%arg6 : memref<32xi32, #tpu.memory_space<vmem>>) semaphore(%arg8 : memref<!tpu.dma_semaphore, #tpu.memory_space<semaphore_mem>>)
    %dma_wait3A = arith.constant 0 : i32
    %dma_wait3A_26 = tpu.memref_slice %arg2[%dma_wait3A] : memref<102400000xf32, #tpu.memory_space<hbm>> -> memref<102400000xf32, #tpu.memory_space<hbm>>
    tpu.wait_indirect_dma semaphore(%arg8 : memref<!tpu.dma_semaphore, #tpu.memory_space<semaphore_mem>>) src(%dma_wait3A_26 : memref<102400000xf32, #tpu.memory_space<hbm>>) dst(%arg7 : memref<32xf32, #tpu.memory_space<vmem>>)
    "tpu.region"() ({
      %run_scoped3A = tpu.sem_alloc : memref<!tpu.dma_semaphore, #tpu.memory_space<semaphore_mem>>
      %dma_start3A_27 = tpu.memref_slice %arg4[%mul3A_2] : memref<1024xf32, #tpu.memory_space<hbm>> -> memref<32xf32, #tpu.memory_space<hbm>>
      %dma_start3A_28 = tpu.memref_slice %arg4[%mul3A_2] : memref<1024xf32, #tpu.memory_space<hbm>> -> memref<32xf32, #tpu.memory_space<hbm>>
      tpu.enqueue_dma source(%arg7 : memref<32xf32, #tpu.memory_space<vmem>>) target(%dma_start3A_28 : memref<32xf32, #tpu.memory_space<hbm>>) target_semaphore(%run_scoped3A : memref<!tpu.dma_semaphore, #tpu.memory_space<semaphore_mem>>)
      %dma_wait3A_29 = tpu.memref_slice %arg4[%mul3A_2] : memref<1024xf32, #tpu.memory_space<hbm>> -> memref<32xf32, #tpu.memory_space<hbm>>
      %dma_wait3A_30 = tpu.memref_slice %arg4[%mul3A_2] : memref<1024xf32, #tpu.memory_space<hbm>> -> memref<32xf32, #tpu.memory_space<hbm>>
      tpu.wait_dma2 semaphore(%run_scoped3A : memref<!tpu.dma_semaphore, #tpu.memory_space<semaphore_mem>>) src(%arg7 : memref<32xf32, #tpu.memory_space<vmem>>) dst(%dma_wait3A_30 : memref<32xf32, #tpu.memory_space<hbm>>)
      tpu.yield
    }) : () -> ()
    return
  }
}

module attributes {stable_mosaic.version = 14 : i64} {
  func.func @_tc_kernel(%arg0: i32, %arg1: memref<16x100000xf32, #tpu.memory_space<vmem>>, %arg2: memref<16x1xf32, #tpu.memory_space<vmem>>, %arg3: memref<16x1xf32, #tpu.memory_space<vmem>>, %arg4: memref<16x1xi32, #tpu.memory_space<vmem>>, %arg5: memref<16x100000xf32, #tpu.memory_space<vmem>>) attributes {dimension_semantics = [#tpu.dimension_semantics<arbitrary>], iteration_bounds = array<i64: 64>, scalar_prefetch = 0 : i64, scratch_operands = 0 : i64, tpu.core_type = #tpu.core_type<tc>, window_params = [{transform_indices = @transform_0, window_bounds = array<i64: 16, 100000>}, {transform_indices = @transform_1, window_bounds = array<i64: 16, 1>}, {transform_indices = @transform_2, window_bounds = array<i64: 16, 1>}, {transform_indices = @transform_3, window_bounds = array<i64: 16, 1>}, {transform_indices = @transform_4, window_bounds = array<i64: 16, 100000>}]} {
    %get3A = arith.constant 0 : index
    %get3A_0 = arith.constant 0 : index
    %get3A_1 = vector.load %arg1[%get3A, %get3A_0] : memref<16x100000xf32, #tpu.memory_space<vmem>>, vector<16x100000xf32>
    %reduce_max3A = arith.constant dense<0xFF800000> : vector<16xf32>
    %reduce_max3A_2 = vector.multi_reduction <maximumf>, %get3A_1, %reduce_max3A [1] : vector<16x100000xf32> to vector<16xf32>
    %broadcast_in_dim3A = vector.shape_cast %reduce_max3A_2 : vector<16xf32> to vector<16x1xf32>
    %sub3A = vector.broadcast %broadcast_in_dim3A : vector<16x1xf32> to vector<16x100000xf32>
    %sub3A_3 = arith.subf %get3A_1, %sub3A : vector<16x100000xf32>
    %exp3A = math.exp %sub3A_3 : vector<16x100000xf32>
    %reduce_sum3A = arith.constant dense<0.000000e+00> : vector<16xf32>
    %reduce_sum3A_4 = vector.multi_reduction <add>, %exp3A, %reduce_sum3A [1] : vector<16x100000xf32> to vector<16xf32>
    %broadcast_in_dim3A_5 = vector.shape_cast %reduce_sum3A_4 : vector<16xf32> to vector<16x1xf32>
    %div3A = arith.constant 1.000000e+02 : f32
    %div3A_6 = vector.broadcast %div3A : f32 to vector<16x1xf32>
    %div3A_7 = arith.divf %div3A_6, %broadcast_in_dim3A_5 : vector<16x1xf32>
    %mul3A = vector.broadcast %div3A_7 : vector<16x1xf32> to vector<16x100000xf32>
    %mul3A_8 = arith.mulf %exp3A, %mul3A : vector<16x100000xf32>
    %swap3A = arith.constant 0 : index
    %swap3A_9 = arith.constant 0 : index
    %swap3A_10 = vector.load %arg5[%swap3A, %swap3A_9] : memref<16x100000xf32, #tpu.memory_space<vmem>>, vector<16x100000xf32>
    tpu.vector_store %arg5[%swap3A, %swap3A_9], %mul3A_8 {strides = array<i32>} : memref<16x100000xf32, #tpu.memory_space<vmem>>, vector<16x100000xf32>,
    %iota3A = tpu.iota {dimensions = array<i32: 1>} : vector<16x100000xi32>
    %eq3A = vector.broadcast %broadcast_in_dim3A : vector<16x1xf32> to vector<16x100000xf32>
    %eq3A_11 = arith.cmpf oeq, %get3A_1, %eq3A : vector<16x100000xf32>
    %jit3A = arith.constant 100000 : i32
    %broadcast_in_dim3A_12 = vector.broadcast %jit3A : i32 to vector<16x100000xi32>
    %select_n3A = arith.select %eq3A_11, %iota3A, %broadcast_in_dim3A_12 : vector<16x100000xi1>, vector<16x100000xi32>
    %reduce_min3A = arith.constant dense<2147483647> : vector<16xi32>
    %reduce_min3A_13 = vector.multi_reduction <minsi>, %select_n3A, %reduce_min3A [1] : vector<16x100000xi32> to vector<16xi32>
    %broadcast_in_dim3A_14 = vector.shape_cast %reduce_min3A_13 : vector<16xi32> to vector<16x1xi32>
    %swap3A_15 = arith.constant 0 : index
    %swap3A_16 = arith.constant 0 : index
    %swap3A_17 = vector.load %arg4[%swap3A_15, %swap3A_16] : memref<16x1xi32, #tpu.memory_space<vmem>>, vector<16x1xi32>
    tpu.vector_store %arg4[%swap3A_15, %swap3A_16], %broadcast_in_dim3A_14 {strides = array<i32>} : memref<16x1xi32, #tpu.memory_space<vmem>>, vector<16x1xi32>,
    %get3A_18 = arith.constant 0 : index
    %get3A_19 = arith.constant 0 : index
    %get3A_20 = vector.load %arg2[%get3A_18, %get3A_19] : memref<16x1xf32, #tpu.memory_space<vmem>>, vector<16x1xf32>
    %sub3A_21 = arith.subf %get3A_20, %broadcast_in_dim3A : vector<16x1xf32>
    %log3A = math.log %broadcast_in_dim3A_5 : vector<16x1xf32>
    %sub3A_22 = arith.subf %sub3A_21, %log3A : vector<16x1xf32>
    %swap3A_23 = arith.constant 0 : index
    %swap3A_24 = arith.constant 0 : index
    %swap3A_25 = vector.load %arg3[%swap3A_23, %swap3A_24] : memref<16x1xf32, #tpu.memory_space<vmem>>, vector<16x1xf32>
    tpu.vector_store %arg3[%swap3A_23, %swap3A_24], %sub3A_22 {strides = array<i32>} : memref<16x1xf32, #tpu.memory_space<vmem>>, vector<16x1xf32>,
    return
  }
  func.func @transform_0(%arg0: i32) -> (i32, i32) {
    %c0_i32 = arith.constant 0 : i32
    %c0_i32_0 = arith.constant 0 : i32
    return %arg0, %c0_i32 : i32, i32
  }
  func.func @transform_1(%arg0: i32) -> (i32, i32) {
    %c0_i32 = arith.constant 0 : i32
    %c0_i32_0 = arith.constant 0 : i32
    return %arg0, %c0_i32 : i32, i32
  }
  func.func @transform_2(%arg0: i32) -> (i32, i32) {
    %c0_i32 = arith.constant 0 : i32
    %c0_i32_0 = arith.constant 0 : i32
    return %arg0, %c0_i32 : i32, i32
  }
  func.func @transform_3(%arg0: i32) -> (i32, i32) {
    %c0_i32 = arith.constant 0 : i32
    %c0_i32_0 = arith.constant 0 : i32
    return %arg0, %c0_i32 : i32, i32
  }
  func.func @transform_4(%arg0: i32) -> (i32, i32) {
    %c0_i32 = arith.constant 0 : i32
    %c0_i32_0 = arith.constant 0 : i32
    return %arg0, %c0_i32 : i32, i32
  }
}

</mosaic_0001>

<sc_bundles>
// kernel: kernel.4.cloned.1.call-start
scs
__scs_entry_jumppad:
0x0: {  	(pc) =	sbr.rel $0x88, $3  }
0x1: {  	(tag) =	ssettag $0x0;
	lr =	simm.s32 $0x1  }
0x2: {  	[smem:$0x3F9F] =	sst lr;
	_ =	strace $0xD0000000  }
0x3: {  	_ = 	snop  }
0x4: {  	_ = 	snop  }
0x5: {  	_ = 	snop  }
0x6: {  	_ = 	snop  }
0x7: {  	_ = 	snop  }
__scs_overlays_trampoline_lowered:
0x8: {  	[smem:$0x3FAE] =	sst s0  }
0x9: {  	[smem:$0x3FAF] =	sst s1  }
0xa: {  	[smem:$0x3FB0] =	sst s2  }
0xb: {  	[smem:$0x3FB1] =	sst s3  }
0xc: {  	[smem:$0x3FB2] =	sst s4  }
0xd: {  	[smem:$0x3FB3] =	sst s5  }
0xe: {  	[smem:$0x3FB4] =	sst s6  }
0xf: {  	[smem:$0x3FB5] =	sst s7  }
0x10: {  	[smem:$0x3FB6] =	sst s8  }
0x11: {  	[smem:$0x3FB7] =	sst s9;
	s0 =	simm.s32 @!p0 $0x0  }
0x12: {  	s1 =	sld [smem:$0x3F9D];
	s0 =	simm.s32 @p0 $0x1  }
0x13: {  	[smem:$0x3FB8] =	sst s0;
	s0 =	simm.s32 @!p1 $0x0  }
0x14: {  	s2 =	sld [smem:$0x3F9C];
	s0 =	simm.s32 @p1 $0x1  }
0x15: {  	[smem:$0x3FB9] =	sst s0;
	s0 =	simm.s32 @!p2 $0x0  }
0x16: {  	s3 =	sld [smem:$0x3FDB];
	s0 =	simm.s32 @p2 $0x1  }
0x17: {  	s4 =	simm.s32 $0x1BF5;
	[smem:$0x3FBB] =	sst s0  }
0x18: {  	s0 =	sld [smem:$0x3F9E];
	_ =	swait.ge [sflag:s4], $0x0  }
0x19: {  	s7 =	sld [smem:$0x3F9F]  }
0x1a: {  	s8 =	sadd.s32 $0xFFFFE003, lr  }
0x1b: {  	s9 =	sadd.s32 $0xFFFFFEF7, lr;
	s5 =	simm.s32 $0xFFFFFFFF;
	p2 =	slt.u32 s8, $0xFFFFF086  }
0x1c: {  	p1 =	slt.u32 s9, $0xF7A;
	s5 =	simm.s32 @!p2 $0x0  }
0x1d: {  	s5 =	simm.s32 @p1 $0x1;
	p0 =	seq.s32 s7, s2  }
0x1e: {  	s7 =	smul.u32 @!p0 $0xF7A, s2;
	p2 =	seq.s32 @!p0 s5, $0x0  }
0x1f: {  	s9 =	smul.u32 $0xF7A, s1;
	s8 =	simm.s32 @!p0 $0x1BF5;
	p2 =	por !p2, p0  }
0x20: {  	[sflag:s8] =	ssyncset.s32 @!p0 $0xFFFFF086;
	s6 =	sadd.s32 @!p0 s3, s7;
	s7 =	simm.s32 @!p0 $0x108  }
0x21: {  	s3 =	sadd.s32 s3, s9;
	s6 =	sadd.s32 @!p0 $0x88, s6;
	s7 =	simm.s32 @p2 $0x1082  }
0x22: {  	[simem:s7], [sflag:s8] =	dma.local @!p0 [hbm:s6], $0xF7A  }
0x23: {  	s9 =	sor.u32 $0xD0000000, s2;
	s6 =	simm.s32 $0x108;
	_ =	swait.ge @!p0 [sflag:s8], $0x0  }
0x24: {  	s3 =	sadd.s32 $0x88, s3;
	s6 =	simm.s32 @!p1 $0x1082;
	[sflag:s4] =	ssyncset.s32 $0xFFFFF086  }
0x25: {  	[simem:s6], [sflag:s4] =	dma.local [hbm:s3], $0xF7A  }
0x26: {  	[smem:$0x3F9F] =	sst s1;
	(tag) =	ssettag s2;
	_ =	strace s9  }
0x27: {  	s1 =	sld [smem:$0x3FAF]  }
0x28: {  	s2 =	sld [smem:$0x3FB0]  }
0x29: {  	s4 =	sld [smem:$0x3FB2]  }
0x2a: {  	p0 =	seq.s32 s5, $0x0;
	s5 =	sld [smem:$0x3FB3]  }
0x2b: {  	s6 =	sld [smem:$0x3FB4]  }
0x2c: {  	s7 =	sld [smem:$0x3FB5]  }
0x2d: {  	s3 =	simm.s32 $0x108;
	s8 =	sld [smem:$0x3FB6]  }
0x2e: {  	s3 =	simm.s32 @!p0 $0x1082;
	s9 =	sld [smem:$0x3FB7]  }
0x2f: {  	lr =	sadd.s32 s0, s3;
	s0 =	sld [smem:$0x3FAE]  }
0x30: {  	s3 =	sld [smem:$0x3FB1]  }
0x31: {  	[smem:$0x3FBA] =	sst s10  }
0x32: {  	s10 =	sld [smem:$0x3FB8];
	_ =	sdelay $0x3  }
0x33: {  	p0 =	seq.s32 s10, $0x1;
	s10 =	sld [smem:$0x3FBA];
	_ =	sdelay $0x3  }
0x34: {  	[smem:$0x3FBA] =	sst s10  }
0x35: {  	s10 =	sld [smem:$0x3FB9];
	_ =	sdelay $0x3  }
0x36: {  	p1 =	seq.s32 s10, $0x1;
	s10 =	sld [smem:$0x3FBA];
	_ =	sdelay $0x3  }
0x37: {  	[smem:$0x3FBA] =	sst s10  }
0x38: {  	s10 =	sld [smem:$0x3FBB]  }
0x39: {  	_ = 	snop;
	(pc) =	sbr.ind lr, $3  }
0x3a: {  	_ = 	snop  }
0x3b: {  	_ = 	snop  }
0x3c: {  	p2 =	seq.s32 s10, $0x1;
	s10 =	sld [smem:$0x3FBA]  }
0x3d: {  	_ =	shalt  }
0x3e: {  	_ =	shalt  }
0x3f: {  	_ =	shalt  }
0x40: {  	_ =	shalt  }
0x41: {  	_ =	shalt  }
0x42: {  	_ =	shalt  }
0x43: {  	_ =	shalt  }
0x44: {  	_ =	shalt  }
0x45: {  	_ =	shalt  }
0x46: {  	_ =	shalt  }
0x47: {  	_ =	shalt  }
0x48: {  	_ =	shalt  }
0x49: {  	_ =	shalt  }
0x4a: {  	_ =	shalt  }
0x4b: {  	_ =	shalt  }
0x4c: {  	_ =	shalt  }
0x4d: {  	_ =	shalt  }
0x4e: {  	_ =	shalt  }
0x4f: {  	_ =	shalt  }
0x50: {  	_ =	shalt  }
0x51: {  	_ =	shalt  }
0x52: {  	_ =	shalt  }
0x53: {  	_ =	shalt  }
0x54: {  	_ =	shalt  }
0x55: {  	_ =	shalt  }
0x56: {  	_ =	shalt  }
0x57: {  	_ =	shalt  }
0x58: {  	_ =	shalt  }
0x59: {  	_ =	shalt  }
0x5a: {  	_ =	shalt  }
0x5b: {  	_ =	shalt  }
0x5c: {  	_ =	shalt  }
0x5d: {  	_ =	shalt  }
0x5e: {  	_ =	shalt  }
0x5f: {  	_ =	shalt  }
0x60: {  	_ =	shalt  }
0x61: {  	_ =	shalt  }
0x62: {  	_ =	shalt  }
0x63: {  	_ =	shalt  }
0x64: {  	_ =	shalt  }
0x65: {  	_ =	shalt  }
0x66: {  	_ =	shalt  }
0x67: {  	_ =	shalt  }
0x68: {  	_ =	shalt  }
0x69: {  	_ =	shalt  }
0x6a: {  	_ =	shalt  }
0x6b: {  	_ =	shalt  }
0x6c: {  	_ =	shalt  }
0x6d: {  	_ =	shalt  }
0x6e: {  	_ =	shalt  }
0x6f: {  	_ =	shalt  }
0x70: {  	_ =	shalt  }
0x71: {  	_ =	shalt  }
0x72: {  	_ =	shalt  }
0x73: {  	_ =	shalt  }
0x74: {  	_ =	shalt  }
0x75: {  	_ =	shalt  }
0x76: {  	_ =	shalt  }
0x77: {  	_ =	shalt  }
0x78: {  	_ =	shalt  }
0x79: {  	_ =	shalt  }
0x7a: {  	_ =	shalt  }
0x7b: {  	_ =	shalt  }
0x7c: {  	_ =	shalt  }
0x7d: {  	_ =	shalt  }
0x7e: {  	_ =	shalt  }
0x7f: {  	_ =	shalt  }
0x80: {  	_ =	shalt  }
0x81: {  	_ =	shalt  }
0x82: {  	_ =	shalt  }
0x83: {  	_ =	shalt  }
0x84: {  	_ =	shalt  }
0x85: {  	_ =	shalt  }
0x86: {  	_ =	shalt  }
0x87: {  	_ =	shalt  }
.Lfunc_end0:
.L_simem_size_0:
called_computation_lowered:
.L_overlay_start_0:
0x88: {  	s2 =	sld [smem:$0x3FD9]  }
0x89: {  	s3 =	sld [smem:$0x3FFE];
	_ =	sdelay $0x1  }
0x8a: {  	s1 =	srdreg.scid  }
0x8b: {  	s0 =	sand.u32 $0x1, s1  }
0x8c: {  	s15 =	sshll.u32 s0, $0xA;
	s2 =	sadd.s32 s3, s2  }
0x8d: {  	s2 =	sadd.s32 s2, s15  }
0x8e: {  	[smem:$0x3FC6] =	sst s2  }
0x8f: {  	_ = 	snop  }
0x90: {  	s2 =	sld [smem:$0x3FD0];
	_ =	sdelay $0x2  }
0x91: {  	s4 =	simm.s32 $0xA;
	s5 =	simm.s32 $0x10;
	s16 =	sld [smem:$0x3FC8]  }
0x92: {  	[smem:s5], [sflag:s4] =	dma.local [hbm:s2], $0x1  }
0x93: {  	_ =	swait.eq [sflag:s4], $0x1  }
0x94: {  	[sflag:s4] =	ssyncset.done $0x0  }
0x95: {  	s17 =	sld [smem:$0x11];
	[sflag:s4] =	ssyncadd.s32 $0xFFFFFFFF  }
0x96: {  	s18 =	sld [smem:$0x12];
	(tm) =	ssettm $0x1  }
0x97: {  	s19 =	sld [smem:$0x3FFB];
	_ =	sdelay $0x3  }
0x98: {  	_ =	strace s19  }
0x99: {  	s5 =	sld [smem:$0x3FFC];
	_ =	sdelay $0x3  }
0x9a: {  	_ =	strace s5  }
0x9b: {  	s5 =	sld [smem:$0x3FFD];
	_ =	sdelay $0x3  }
0x9c: {  	_ =	strace s5  }
0x9d: {  	_ =	strace $0x8FFFFFFF  }
0x9e: {  	s20 =	sld [smem:$0x3FDB];
	_ =	sdelay $0x1  }
0x9f: {  	s6 =	simm.s32 $_scs_section_size  }
0xa0: {  	s7 =	simm.s32 $_size__tile_overlayer_lowered;
	s8 =	simm.s32 $_tile_overlayer_lowered  }
0xa1: {  	s23 =	simm.s32 $0x1BFF;
	s22 =	sshll.u32 s8, $0x1;
	s5 =	sadd.s32 s6, s20  }
0xa2: {  	s9 =	simm.s32 $0x0;
	s21 =	sshll.u32 s7, $0x1;
	s7 =	sadd.s32 s22, s5  }
0xa3: {  	[timem:s9], [sflag:s23] =	dma.local [hbm:s7], s21  }
0xa4: {  	_ =	swait.ge [sflag:s23], s21  }
0xa5: {  	s6 =	ssub.s32 $0x0, s21;
	[sflag:s23] =	ssyncset.done $0x0  }
0xa6: {  	[sflag:s23] =	ssyncadd.s32 s6;
	_ =	sdelay $0x1  }
0xa7: {  	s24 =	simm.s32 $0x1B8B  }
0xa8: {  	_ =	swait.ge [sflag:s24], $0x1  }
0xa9: {  	[sflag:s24] =	ssyncset.done $0x0  }
0xaa: {  	s25 =	simm.s32 $0x1B8E;
	[sflag:s24] =	ssyncadd.s32 $0xFFFFFFFF  }
0xab: {  	s26 =	simm.s32 $execute0_lowered;
	[smem:$0x3FD2] =	sst s25  }
0xac: {  	s6 =	sshll.u32 s26, $0x1;
	_ =	strace $0x80000046;
	[dreg:$0x1] =	wrdreg $0xFFFFFFFF  }
0xad: {  	s28 =	simm.s32 $_size_execute0_lowered;
	s5 =	sadd.s32 s5, s6;
	[dreg:$0x0] =	wrdreg $0x0  }
0xae: {  	s6 =	sshll.u32 s28, $0x1;
	[dreg:$0x2] =	wrdreg s5  }
0xaf: {  	[dreg:$0x3] =	wrdreg s6  }
0xb0: {  	[dreg:$0x4] =	wrdreg $0xC0  }
0xb1: {  	_ =	task [dreg:s9], $0x5FFFF  }
0xb2: {  	[dreg:$0x1] =	wrdreg $0xFFFFFFFF  }
0xb3: {  	[dreg:$0x0] =	wrdreg $0x60  }
0xb4: {  	[dreg:$0x2] =	wrdreg s18  }
0xb5: {  	[dreg:$0x3] =	wrdreg s16  }
0xb6: {  	[dreg:$0x4] =	wrdreg s17  }
0xb7: {  	[dreg:$0x5] =	wrdreg $0x9  }
0xb8: {  	_ =	task.clear_ibuf [dreg:s9], $0x6FFFF;
	_ =	strace $0x90000046  }
0xb9: {  	s29 =	simm.s32 $0x9;
	_ =	strace $0x80000048  }
0xba: {  	_ =	swait.ge [sflag:s29], $0x1  }
0xbb: {  	[sflag:s29] =	ssyncadd.s32 $0xFFFFFFFF  }
0xbc: {  	_ =	strace $0x90000048  }
0xbd: {  	_ =	sfence  }
0xbe: {  	s30 =	sld [smem:$0x0];
	_ =	sdelay $0x2  }
0xbf: {  	s31 =	sshll.u32 s1, $0xD;
	s1 =	sshrl.u32 s1, $0x2  }
0xc0: {  	s3 =	sand.u32 $0x4000, s31;
	s1 =	sadd.s32 s1, s30  }
0xc1: {  	s0 =	sor.u32 s3, s0;
	s1 =	sshll.u32 s1, $0x11  }
0xc2: {  	s0 =	sor.u32 s1, s0  }
0xc3: {  	s0 =	sadd.s32 $0x8F2B, s0  }
0xc4: {  	[sflag:s0] =	ssyncadd.remote.s32 $0x1  }
0xc5: {  	_ =	sfence.sel $0xFFFF  }
0xc6: {  	[dreg:$0x0] =	wrdreg $0xFFFFFFFF;
	(pc) =	sbr.abs _section_cstart, $3  }
0xc7: {  	[dreg:$0x1] =	wrdreg $0xFFFFFFFF  }
0xc8: {  	_ =	task.clear_ibuf [dreg:s9], $0x2FFFF;
	_ =	strace $0x9FFFFFFF  }
0xc9: {  	(tm) =	ssettm $0x7FFFFFFF  }
tec
execute0_lowered:
.L_overlay_start_1:
0x0: {  	(tag) =	ssettag $0x1  }
0x1: {  	s2 =	rddreg [dreg:$0x0];
	s1 =	srdreg.scid  }
0x2: {  	s4 =	rddreg [dreg:$0x1];
	s0 =	stileid.u32;
	s6 =	sand.u32 $0x1, s1  }
0x3: {  	s9 =	rddreg [dreg:$0x2];
	s5 =	sshll.u32 s0, $0x6;
	s7 =	sshll.u32 s6, $0x5  }
0x4: {  	s3 =	simm.s32 $0x0;
	s1 =	rddreg [dreg:$0x3];
	s7 =	sor.u32 s7, s5  }
0x5: {  	[smem:$0x7FF] =	sst s3;
	s10 =	sshrl.u32 s7, $0x3  }
0x6: {  	_ =	strace $0x80000047;
	s5 =	sadd.s32 s4, s10;
	s4 =	simm.s32 $0x2  }
0x7: {  	[tilespmem:s3], [sflag:$0x2] =	stream.linear.gather [hbm4b:s5+s3], $0x20, $0x38;
	[tilespmem:$0x60] =	vst v63  }
0x8: {  	_ =	swait.ge [sflag:s4], $0x20  }
0x9: {  	[sflag:s4] =	ssyncset.done $0x0  }
0xa: {  	v0 =	vmov s7;
	s7 =	sor.u32 $0x10, s7;
	[sflag:s4] =	ssyncadd.s32 $0xFFFFFFE0  }
0xb: {  	v0 =	vmul.u32 $0x186A0, v0;
	v1 =	vmov s7;
	v2 =	vld [tilespmem:$0x0]  }
0xc: {  	v3 =	vlaneseq.u32;
	v1 =	vmul.u32 $0x186A0, v1;
	v4 =	vld [tilespmem:$0x10]  }
0xd: {  	v3 =	vmul.u32 $0x186A0, v3;
	v0 =	vbroadcast v0, $0x0  }
0xe: {  	s11 =	ssub.s32 $0x2, s6;
	v1 =	vbroadcast v1, $0x0  }
0xf: {  	s12 =	sshrl.u32 s11, $0x1;
	v0 =	vadd.s32 v3, v0  }
0x10: {  	s11 =	ssub.s32 s11, s12;
	v1 =	vadd.s32 v3, v1;
	v2 =	vadd.s32 v2, v0  }
0x11: {  	s8 =	simm.s32 $0x1;
	s31 =	smax.u32 s11, $0x1;
	[tilespmem:$0x20] =	vst v2;
	v2 =	vadd.s32 v4, v1  }
0x12: {  	s6 =	simm.s32 $0x20;
	s7 =	simm.s32 $0x40;
	p0 =	sne.s32 s31, $0x1;
	[tilespmem:$0x30] =	vst v2  }
0x13: {  	[tilespmem:s7], [sflag:$0x1] =	stream.indirect.gather [hbm4b:s2+s6], $0x1, s6, s6, $0xb8;
	[tilespmem:$0x60] =	vst v63  }
.Ltmp0:
0x14: {  	_ =	swait.ge [sflag:s8], $0x20;
	(pc) =	sbr.rel @!p0 .LBB2_2-.Ltmp0, $4  }
0x15: {  	[sflag:s8] =	ssyncset.done $0x0  }
0x16: {  	s9 =	sadd.s32 s9, s10;
	[sflag:s8] =	ssyncadd.s32 $0xFFFFFFE0  }
0x17: {  	[hbm4b:s9+s3] =	stream.linear.scatter [tilespmem:s7], [sflag:$0x2], $0x20, $0x38;
	[tilespmem:$0x60] =	vst v63  }
0x18: {  	s10 =	sadd.s32 $0xFFFFFFFF, s31;
	_ =	swait.ge [sflag:s4], $0x20  }
.LBB2_1:
0x19: {  	p0 =	sne.s32 s10, $0x1;
	s10 =	sadd.s32 $0xFFFFFFFF, s10;
	[sflag:s4] =	ssyncset.done $0x0  }
0x1a: {  	[sflag:s4] =	ssyncadd.s32 $0xFFFFFFE0  }
0x1b: {  	[tilespmem:s3], [sflag:$0x2] =	stream.linear.gather [hbm4b:s5+s3], $0x20, $0x38;
	[tilespmem:$0x60] =	vst v63  }
0x1c: {  	_ =	swait.ge [sflag:s4], $0x20  }
0x1d: {  	[sflag:s4] =	ssyncset.done $0x0  }
0x1e: {  	[sflag:s4] =	ssyncadd.s32 $0xFFFFFFE0  }
0x1f: {  	v2 =	vld [tilespmem:$0x0]  }
0x20: {  	v3 =	vld [tilespmem:$0x10];
	_ =	sdelay $0x3  }
0x21: {  	v2 =	vadd.s32 v2, v0  }
0x22: {  	[tilespmem:$0x20] =	vst v2;
	v2 =	vadd.s32 v3, v1  }
0x23: {  	[tilespmem:$0x30] =	vst v2  }
0x24: {  	[tilespmem:s7], [sflag:$0x1] =	stream.indirect.gather [hbm4b:s2+s6], $0x1, s6, s6, $0xb8;
	[tilespmem:$0x60] =	vst v63  }
.Ltmp1:
0x25: {  	_ =	swait.ge [sflag:s8], $0x20;
	(pc) =	sbr.rel @p0 .LBB2_1-.Ltmp1, $4  }
0x26: {  	[sflag:s8] =	ssyncset.done $0x0  }
0x27: {  	[sflag:s8] =	ssyncadd.s32 $0xFFFFFFE0  }
0x28: {  	[hbm4b:s9+s3] =	stream.linear.scatter [tilespmem:s7], [sflag:$0x2], $0x20, $0x38;
	[tilespmem:$0x60] =	vst v63  }
0x29: {  	_ =	swait.ge [sflag:s4], $0x20  }
.LBB2_2:
0x2a: {  	[sflag:s4] =	ssyncset.done $0x0  }
0x2b: {  	[sflag:s4] =	ssyncadd.s32 $0xFFFFFFE0  }
0x2c: {  	_ =	sfence.sel $0x180000  }
0x2d: {  	[bflag:$0x0] =	sbarrier.arrive $0xFFFF  }
0x2e: {  	p0 =	sne.s32 s0, $0x0;
	_ =	strace $0x90000047  }
0x2f: {  	s0 =	sadd.s32 @!p0 $0x100000, s1;
	[bflag:$0x2] =	sbarrier.arrive $0xFFFF  }
0x30: {  	[sflag:s0] =	ssyncadd.tile.s32 @!p0 $0x1;
	_ =	shalt  }
.Lfunc_end2:
_tile_overlayer_lowered:
.L_overlay_start_2:
0x31: {  	(tag) =	ssettag $0x2  }
0x32: {  	s0 =	rddreg [dreg:$0x0];
	s2 =	stileid.u32  }
0x33: {  	s1 =	rddreg [dreg:$0x1];
	p0 =	sne.s32 s2, $0x0  }
0x34: {  	s3 =	rddreg [dreg:$0x2];
	[bflag:$0x3] =	sbarrier.arrive $0xFFFF;
	s2 =	simm.s32 @!p0 $0x1C02  }
0x35: {  	[timem:s3], [sflag:s2] =	dma.local @!p0 [hbm:s0], s1  }
0x36: {  	s0 =	simm.s32 @!p0 $0x2  }
0x37: {  	_ =	swait.ge @!p0 [sflag:s0], s1  }
0x38: {  	s1 =	ssub.s32 @!p0 $0x0, s1;
	[sflag:s0] =	ssyncset.done @!p0 $0x0  }
0x39: {  	[sflag:s0] =	ssyncadd.s32 @!p0 s1  }
0x3a: {  	[bflag:$0x3] =	sbarrier.arrive $0xFFFF  }
0x3b: {  	_ =	shalt  }

</sc_bundles>
